<compile_context>
chip_gen: v7x
topology: tpu7x:2x2x1
jax: 0.10.2.dev20260603
libtpu: 0.0.44.dev20260713+nightly
codegen_flags: <defaults>
</compile_context>

<pallas_src>
import functools

import jax
import jax.numpy as jnp
from jax import lax
from jax.experimental import pallas as pl
from jax.experimental.pallas import tpu as pltpu
from jax.experimental.pallas import tpu_sc as plsc

N = 10000
E = 160000
D = 256
H = 128
NC = 2
NS = 16
RA = 624
TAIL_OFF = RA * NS
TAIL = N - TAIL_OFF

K1 = 128
NCH1 = 40
EP1P = NCH1 * K1
EPAD = NC * NS * EP1P
NH = N + 16

EP2 = E // NS
K2 = 128
NCH2 = EP2 // K2
KT = EP2 - NCH2 * K2

_mesh = plsc.VectorSubcoreMesh(core_axis_name="c", subcore_axis_name="s")


@jax.jit
def _deg_sc(row3, ones, zeros):
    @functools.partial(
        pl.kernel,
        out_type=[
            jax.ShapeDtypeStruct((N, H), jnp.float32),
            jax.ShapeDtypeStruct((N, H), jnp.float32),
        ],
        mesh=_mesh,
        scratch_types=[
            pltpu.VMEM_SHARED((NH, H), jnp.float32),
            pltpu.VMEM((NCH1, K1), jnp.int32),
            pltpu.VMEM((K1, H), jnp.float32),
            pltpu.SemaphoreType.DMA,
        ],
    )
    def k(row3_hbm, ones_hbm, zeros_hbm, dega_hbm, degb_hbm,
          acc_sh, idx_v, ones_v, ssem):
        c = lax.axis_index("c")
        s = lax.axis_index("s")

        pltpu.sync_copy(ones_hbm, ones_v)
        sl = pl.ds(s * RA, RA)
        tl = pl.ds(TAIL_OFF, TAIL)
        pltpu.sync_copy(zeros_hbm.at[sl], acc_sh.at[sl])

        @pl.when(s == NS - 1)
        def _():
            pltpu.sync_copy(zeros_hbm.at[pl.ds(TAIL_OFF, NH - TAIL_OFF)],
                            acc_sh.at[pl.ds(TAIL_OFF, NH - TAIL_OFF)])

        wid = s * NC + c
        pltpu.sync_copy(row3_hbm.at[wid], idx_v)
        plsc.subcore_barrier()

        @pl.loop(0, NCH1)
        def _(i):
            pltpu.async_copy(ones_v, acc_sh.at[idx_v.at[i]], ssem, add=True)

        @pl.loop(0, NCH1)
        def _(i):
            pltpu.make_async_copy(ones_v, acc_sh.at[idx_v.at[0]],
                                  ssem).wait()

        plsc.subcore_barrier()

        @pl.when(c == 0)
        def _():
            pltpu.sync_copy(acc_sh.at[sl], dega_hbm.at[sl])

            @pl.when(s == NS - 1)
            def _():
                pltpu.sync_copy(acc_sh.at[tl], dega_hbm.at[tl])

        @pl.when(c == 1)
        def _():
            pltpu.sync_copy(acc_sh.at[sl], degb_hbm.at[sl])

            @pl.when(s == NS - 1)
            def _():
                pltpu.sync_copy(acc_sh.at[tl], degb_hbm.at[tl])

    return k(row3, ones, zeros)


_RB = 1000


def _dinv_block(da, db):
    deg = da + db
    return jnp.where(deg > 0, lax.rsqrt(jnp.maximum(deg, 1.0)), 0.0)


def _prescale_body(x_ref, da_ref, db_ref, oa_ref, ob_ref):
    d1 = _dinv_block(da_ref[:, 0:1], db_ref[:, 0:1])
    xs = x_ref[...] * (-d1)
    oa_ref[...] = xs[:, :H]
    ob_ref[...] = xs[:, H:]


@jax.jit
def _prescale(x, dega, degb):
    grid = (N // _RB,)
    return pl.pallas_call(
        _prescale_body,
        grid=grid,
        in_specs=[
            pl.BlockSpec((_RB, D), lambda i: (i, 0)),
            pl.BlockSpec((_RB, H), lambda i: (i, 0)),
            pl.BlockSpec((_RB, H), lambda i: (i, 0)),
        ],
        out_specs=[
            pl.BlockSpec((_RB, H), lambda i: (i, 0)),
            pl.BlockSpec((_RB, H), lambda i: (i, 0)),
        ],
        out_shape=[
            jax.ShapeDtypeStruct((N, H), jnp.float32),
            jax.ShapeDtypeStruct((N, H), jnp.float32),
        ],
    )(x, dega, degb)


@jax.jit
def _scatter_sc(row2, col2, xsa, xsb, zeros):
    @functools.partial(
        pl.kernel,
        out_type=[
            jax.ShapeDtypeStruct((N, H), jnp.float32),
            jax.ShapeDtypeStruct((N, H), jnp.float32),
        ],
        mesh=_mesh,
        scratch_types=[
            pltpu.VMEM_SHARED((N, H), jnp.float32),
            pltpu.VMEM((EP2,), jnp.int32),
            [pltpu.VMEM((K2,), jnp.int32) for _ in range(2)],
            [pltpu.VMEM((K2, H), jnp.float32) for _ in range(2)],
            pltpu.VMEM((KT,), jnp.int32),
            [pltpu.SemaphoreType.DMA for _ in range(2)],
            [pltpu.SemaphoreType.DMA for _ in range(2)],
        ],
    )
    def k(row_hbm, col_hbm, xsa_hbm, xsb_hbm, zeros_hbm, txa_hbm, txb_hbm,
          acc_sh, ridx_v, cidx, rows, ctail_v, gsem, csem):
        c = lax.axis_index("c")
        s = lax.axis_index("s")

        sl = pl.ds(s * RA, RA)
        tl = pl.ds(TAIL_OFF, TAIL)
        pltpu.sync_copy(zeros_hbm.at[sl], acc_sh.at[sl])

        @pl.when(s == NS - 1)
        def _():
            pltpu.sync_copy(zeros_hbm.at[tl], acc_sh.at[tl])

        plsc.subcore_barrier()

        base = s * EP2

        def run(xs_hbm):
            pltpu.sync_copy(row_hbm.at[pl.ds(base, EP2)], ridx_v)

            def start(i, b):
                pltpu.async_copy(col_hbm.at[pl.ds(base + i * K2, K2)],
                                 cidx[b], csem[b])
                pltpu.async_copy(
                    xs_hbm.at[ridx_v.at[pl.ds(i * K2, K2)]], rows[b], gsem[b])

            def finish(i, b):
                pltpu.make_async_copy(col_hbm.at[pl.ds(base, K2)],
                                      cidx[b], csem[b]).wait()
                pltpu.make_async_copy(zeros_hbm.at[pl.ds(0, K2)], rows[b],
                                      gsem[b]).wait()
                pltpu.sync_copy(rows[b], acc_sh.at[cidx[b]], add=True)

            start(0, 0)

            @pl.loop(0, NCH2 // 2)
            def _(j):
                i = j * 2
                start(i + 1, 1)
                finish(i, 0)

                @pl.when(i + 2 < NCH2)
                def _():
                    start(i + 2, 0)

                finish(i + 1, 1)

            toff = base + NCH2 * K2
            pltpu.sync_copy(col_hbm.at[pl.ds(toff, KT)], ctail_v)
            pltpu.async_copy(
                xs_hbm.at[ridx_v.at[pl.ds(NCH2 * K2, KT)]],
                rows[0].at[pl.ds(0, KT)], gsem[0])
            pltpu.make_async_copy(zeros_hbm.at[pl.ds(0, KT)],
                                  rows[0].at[pl.ds(0, KT)], gsem[0]).wait()
            pltpu.sync_copy(rows[0].at[pl.ds(0, KT)], acc_sh.at[ctail_v],
                            add=True)

        @pl.when(c == 0)
        def _():
            run(xsa_hbm)

        @pl.when(c == 1)
        def _():
            run(xsb_hbm)

        plsc.subcore_barrier()

        @pl.when(c == 0)
        def _():
            pltpu.sync_copy(acc_sh.at[sl], txa_hbm.at[sl])

            @pl.when(s == NS - 1)
            def _():
                pltpu.sync_copy(acc_sh.at[tl], txa_hbm.at[tl])

        @pl.when(c == 1)
        def _():
            pltpu.sync_copy(acc_sh.at[sl], txb_hbm.at[sl])

            @pl.when(s == NS - 1)
            def _():
                pltpu.sync_copy(acc_sh.at[tl], txb_hbm.at[tl])

    return k(row2, col2, xsa, xsb, zeros)


def _xw0_body(x_ref, w0_ref, b_ref, o_ref):
    o_ref[...] = jnp.dot(x_ref[...], w0_ref[...],
                         preferred_element_type=jnp.float32) + b_ref[...]


@jax.jit
def _xw0(x, W0, b2):
    grid = (N // _RB,)
    return pl.pallas_call(
        _xw0_body,
        grid=grid,
        in_specs=[
            pl.BlockSpec((_RB, D), lambda i: (i, 0)),
            pl.BlockSpec((D, D), lambda i: (0, 0)),
            pl.BlockSpec((1, D), lambda i: (0, 0)),
        ],
        out_specs=pl.BlockSpec((_RB, D), lambda i: (i, 0)),
        out_shape=jax.ShapeDtypeStruct((N, D), jnp.float32),
    )(x, W0, b2)


def _final_body(x_ref, ta_ref, tb_ref, da_ref, db_ref, w0_ref, w1_ref,
                b_ref, o_ref):
    d1 = _dinv_block(da_ref[:, 0:1], db_ref[:, 0:1])
    acc = jnp.dot(x_ref[...], w0_ref[...],
                  preferred_element_type=jnp.float32) + b_ref[...]
    acc += jnp.dot(ta_ref[...] * d1, w1_ref[:H, :],
                   preferred_element_type=jnp.float32)
    acc += jnp.dot(tb_ref[...] * d1, w1_ref[H:, :],
                   preferred_element_type=jnp.float32)
    o_ref[...] = jnp.maximum(acc, 0.0)


@jax.jit
def _final(x, txa, txb, dega, degb, W0, W1, b2):
    grid = (N // _RB,)
    return pl.pallas_call(
        _final_body,
        grid=grid,
        in_specs=[
            pl.BlockSpec((_RB, D), lambda i: (i, 0)),
            pl.BlockSpec((_RB, H), lambda i: (i, 0)),
            pl.BlockSpec((_RB, H), lambda i: (i, 0)),
            pl.BlockSpec((_RB, H), lambda i: (i, 0)),
            pl.BlockSpec((_RB, H), lambda i: (i, 0)),
            pl.BlockSpec((D, D), lambda i: (0, 0)),
            pl.BlockSpec((D, D), lambda i: (0, 0)),
            pl.BlockSpec((1, D), lambda i: (0, 0)),
        ],
        out_specs=pl.BlockSpec((_RB, D), lambda i: (i, 0)),
        out_shape=jax.ShapeDtypeStruct((N, D), jnp.float32),
    )(x, txa, txb, dega, degb, W0, W1, b2)


def kernel(x, edge_index, W0, W1, b):
    row2 = edge_index[0]
    col2 = edge_index[1]
    row3 = jnp.concatenate(
        [row2, jnp.full((EPAD - E,), N, jnp.int32)]
    ).reshape(NC * NS, NCH1, K1)
    ones = jnp.ones((K1, H), jnp.float32)
    zeros = jnp.zeros((NH, H), jnp.float32)
    dega, degb = _deg_sc(row3, ones, zeros)
    xsa, xsb = _prescale(x, dega, degb)
    txa, txb = _scatter_sc(row2, col2, xsa, xsb, zeros)
    return _final(x, txa, txb, dega, degb, W0, W1, b.reshape(1, D))

# --- scband reference (transcript-rebuilt; emitter-appended) ---
"""Pipeline reference for scband-cheb-layer-55783035240591 (READ-ONLY COPY).

The authoritative reference and input builder live on the scoring server;
editing this copy changes nothing except your own understanding.
"""

import jax, jax.numpy as jnp
import numpy as np

N = 10000
E = 160000
D_IN = 256
D_OUT = 256


def setup_inputs(seed: int = 0) -> dict:
    key = jax.random.key(seed)
    k1, k2, k3, k4 = jax.random.split(key, 4)
    x = jax.random.normal(k1, (N, D_IN), dtype=jnp.float32)
    edge_index = jax.random.randint(k2, (2, E), 0, N, dtype=jnp.int32)
    # ChebConv has K=2 linear layers (bias=False) plus a shared bias vector
    W0 = jax.random.normal(k3, (D_IN, D_OUT), dtype=jnp.float32) / np.sqrt(D_IN)
    W1 = jax.random.normal(k4, (D_IN, D_OUT), dtype=jnp.float32) / np.sqrt(D_IN)
    b = jnp.zeros((D_OUT,), dtype=jnp.float32)
    return {"x": x, "edge_index": edge_index, "W0": W0, "W1": W1, "b": b}


def reference(x, edge_index, W0, W1, b):
    # Faithful ChebConv (K=2, normalization='sym', lambda_max=2.0) + ReLU.
    # get_laplacian('sym'): L = I - D^{-1/2} A D^{-1/2}
    # scaling: L_hat = (2/lambda_max) * L - I = L - I = -D^{-1/2} A D^{-1/2}
    # (the +1 diagonal from L and the -1 self-loop cancel, so diag(L_hat) = 0)
    row, col = edge_index[0], edge_index[1]
    ew = jnp.ones((row.shape[0],), dtype=x.dtype)
    deg = jax.ops.segment_sum(ew, row, num_segments=N)
    deg_inv_sqrt = jnp.where(deg > 0, jax.lax.rsqrt(jnp.maximum(deg, 1.0)), 0.0)
    norm = -deg_inv_sqrt[row] * ew * deg_inv_sqrt[col]
    # Chebyshev recurrence, K=2 terms
    Tx0 = x
    msg = x[row] * norm[:, None]
    Tx1 = jax.ops.segment_sum(msg, col, num_segments=N)
    out = Tx0 @ W0 + Tx1 @ W1 + b
    # activation default 'relu'; normalization=False; dropout=0.0 (identity in eval)
    return jax.nn.relu(out)

if __name__ == "__main__":
    import jax
    _d = setup_inputs()
    print(jax.jit(kernel)(*tuple(_d.values())))

</pallas_src>

<mosaic_0001>
#map = affine_map<(d0, d1) -> (0, 0, 0)>
#map1 = affine_map<(d0, d1) -> (0, 0)>
module attributes {stable_mosaic.version = 14 : i64} {
  func.func @k(%arg0: i32, %arg1: i32, %arg2: memref<32x40x128xi32, #tpu.memory_space<hbm>>, %arg3: memref<128x128xf32, #tpu.memory_space<hbm>>, %arg4: memref<10016x128xf32, #tpu.memory_space<hbm>>, %arg5: memref<10000x128xf32, #tpu.memory_space<hbm>>, %arg6: memref<10000x128xf32, #tpu.memory_space<hbm>>, %arg7: memref<10016x128xf32, #tpu.memory_space<vmem_shared>>, %arg8: memref<40x128xi32, #tpu.memory_space<vmem>>, %arg9: memref<128x128xf32, #tpu.memory_space<vmem>>, %arg10: memref<!tpu.dma_semaphore, #tpu.memory_space<semaphore_mem>>) attributes {dimension_semantics = [#tpu.dimension_semantics<core_parallel>, #tpu.dimension_semantics<subcore_parallel>], iteration_bounds = array<i64: 2, 16>, scalar_prefetch = 0 : i64, scratch_operands = 4 : i64, tpu.core_type = #tpu.core_type<sc_vector_subcore>, window_params = [{transform_indices = #map}, {transform_indices = #map1}, {transform_indices = #map1}, {transform_indices = #map1}, {transform_indices = #map1}]} {
    "tpu.region"() ({
      %run_scoped3A = tpu.sem_alloc : memref<!tpu.dma_semaphore, #tpu.memory_space<semaphore_mem>>
      tpu.enqueue_dma source(%arg3 : memref<128x128xf32, #tpu.memory_space<hbm>>) target(%arg9 : memref<128x128xf32, #tpu.memory_space<vmem>>) target_semaphore(%run_scoped3A : memref<!tpu.dma_semaphore, #tpu.memory_space<semaphore_mem>>)
      tpu.wait_dma2 semaphore(%run_scoped3A : memref<!tpu.dma_semaphore, #tpu.memory_space<semaphore_mem>>) src(%arg3 : memref<128x128xf32, #tpu.memory_space<hbm>>) dst(%arg9 : memref<128x128xf32, #tpu.memory_space<vmem>>)
      tpu.yield
    }) : () -> ()
    %mul3A = arith.constant 624 : i32
    %mul3A_0 = arith.muli %arg1, %mul3A : i32
    "tpu.region"() ({
      %run_scoped3A = tpu.sem_alloc : memref<!tpu.dma_semaphore, #tpu.memory_space<semaphore_mem>>
      %dma_start3A = arith.constant 0 : i32
      %dma_start3A_25 = tpu.memref_slice %arg7[%mul3A_0, %dma_start3A] : memref<10016x128xf32, #tpu.memory_space<vmem_shared>> -> memref<624x128xf32, #tpu.memory_space<vmem_shared>>
      %dma_start3A_26 = arith.constant 0 : i32
      %dma_start3A_27 = tpu.memref_slice %arg4[%mul3A_0, %dma_start3A_26] : memref<10016x128xf32, #tpu.memory_space<hbm>> -> memref<624x128xf32, #tpu.memory_space<hbm>>
      tpu.enqueue_dma source(%dma_start3A_27 : memref<624x128xf32, #tpu.memory_space<hbm>>) target(%dma_start3A_25 : memref<624x128xf32, #tpu.memory_space<vmem_shared>>) target_semaphore(%run_scoped3A : memref<!tpu.dma_semaphore, #tpu.memory_space<semaphore_mem>>)
      %dma_wait3A = arith.constant 0 : i32
      %dma_wait3A_28 = tpu.memref_slice %arg7[%mul3A_0, %dma_wait3A] : memref<10016x128xf32, #tpu.memory_space<vmem_shared>> -> memref<624x128xf32, #tpu.memory_space<vmem_shared>>
      %dma_wait3A_29 = arith.constant 0 : i32
      %dma_wait3A_30 = tpu.memref_slice %arg4[%mul3A_0, %dma_wait3A_29] : memref<10016x128xf32, #tpu.memory_space<hbm>> -> memref<624x128xf32, #tpu.memory_space<hbm>>
      tpu.wait_dma2 semaphore(%run_scoped3A : memref<!tpu.dma_semaphore, #tpu.memory_space<semaphore_mem>>) src(%dma_wait3A_30 : memref<624x128xf32, #tpu.memory_space<hbm>>) dst(%dma_wait3A_28 : memref<624x128xf32, #tpu.memory_space<vmem_shared>>)
      tpu.yield
    }) : () -> ()
    %eq3A = arith.constant 15 : i32
    %eq3A_1 = arith.cmpi eq, %arg1, %eq3A : i32
    %convert_element_type3A = arith.extui %eq3A_1 : i1 to i32
    %cond3A = arith.constant 0 : i32
    %cond3A_2 = arith.cmpi ne, %convert_element_type3A, %cond3A : i32
    scf.if %cond3A_2 {
      "tpu.region"() ({
        %run_scoped3A = tpu.sem_alloc : memref<!tpu.dma_semaphore, #tpu.memory_space<semaphore_mem>>
        %dma_start3A = arith.constant 9984 : i32
        %dma_start3A_25 = arith.constant 0 : i32
        %dma_start3A_26 = tpu.memref_slice %arg7[%dma_start3A, %dma_start3A_25] : memref<10016x128xf32, #tpu.memory_space<vmem_shared>> -> memref<32x128xf32, #tpu.memory_space<vmem_shared>>
        %dma_start3A_27 = arith.constant 9984 : i32
        %dma_start3A_28 = arith.constant 0 : i32
        %dma_start3A_29 = tpu.memref_slice %arg4[%dma_start3A_27, %dma_start3A_28] : memref<10016x128xf32, #tpu.memory_space<hbm>> -> memref<32x128xf32, #tpu.memory_space<hbm>>
        tpu.enqueue_dma source(%dma_start3A_29 : memref<32x128xf32, #tpu.memory_space<hbm>>) target(%dma_start3A_26 : memref<32x128xf32, #tpu.memory_space<vmem_shared>>) target_semaphore(%run_scoped3A : memref<!tpu.dma_semaphore, #tpu.memory_space<semaphore_mem>>)
        %dma_wait3A = arith.constant 9984 : i32
        %dma_wait3A_30 = arith.constant 0 : i32
        %dma_wait3A_31 = tpu.memref_slice %arg7[%dma_wait3A, %dma_wait3A_30] : memref<10016x128xf32, #tpu.memory_space<vmem_shared>> -> memref<32x128xf32, #tpu.memory_space<vmem_shared>>
        %dma_wait3A_32 = arith.constant 9984 : i32
        %dma_wait3A_33 = arith.constant 0 : i32
        %dma_wait3A_34 = tpu.memref_slice %arg4[%dma_wait3A_32, %dma_wait3A_33] : memref<10016x128xf32, #tpu.memory_space<hbm>> -> memref<32x128xf32, #tpu.memory_space<hbm>>
        tpu.wait_dma2 semaphore(%run_scoped3A : memref<!tpu.dma_semaphore, #tpu.memory_space<semaphore_mem>>) src(%dma_wait3A_34 : memref<32x128xf32, #tpu.memory_space<hbm>>) dst(%dma_wait3A_31 : memref<32x128xf32, #tpu.memory_space<vmem_shared>>)
        tpu.yield
      }) : () -> ()
    } else {
    }
    %mul3A_3 = arith.constant 2 : i32
    %mul3A_4 = arith.muli %arg1, %mul3A_3 : i32
    %add3A = arith.addi %mul3A_4, %arg0 : i32
    "tpu.region"() ({
      %run_scoped3A = tpu.sem_alloc : memref<!tpu.dma_semaphore, #tpu.memory_space<semaphore_mem>>
      %dma_start3A = arith.constant 0 : i32
      %dma_start3A_25 = arith.constant 0 : i32
      %dma_start3A_26 = tpu.memref_slice %arg2[%add3A, %dma_start3A, %dma_start3A_25] : memref<32x40x128xi32, #tpu.memory_space<hbm>> -> memref<1x40x128xi32, #tpu.memory_space<hbm>>
      %dma_start3A_27 = tpu.memref_squeeze %dma_start3A_26 : memref<1x40x128xi32, #tpu.memory_space<hbm>> -> memref<40x128xi32, #tpu.memory_space<hbm>>
      %dma_start3A_28 = arith.constant 0 : i32
      %dma_start3A_29 = arith.constant 0 : i32
      %dma_start3A_30 = tpu.memref_slice %arg2[%add3A, %dma_start3A_28, %dma_start3A_29] : memref<32x40x128xi32, #tpu.memory_space<hbm>> -> memref<1x40x128xi32, #tpu.memory_space<hbm>>
      %dma_start3A_31 = tpu.memref_squeeze %dma_start3A_30 : memref<1x40x128xi32, #tpu.memory_space<hbm>> -> memref<40x128xi32, #tpu.memory_space<hbm>>
      tpu.enqueue_dma source(%dma_start3A_31 : memref<40x128xi32, #tpu.memory_space<hbm>>) target(%arg8 : memref<40x128xi32, #tpu.memory_space<vmem>>) target_semaphore(%run_scoped3A : memref<!tpu.dma_semaphore, #tpu.memory_space<semaphore_mem>>)
      %dma_wait3A = arith.constant 0 : i32
      %dma_wait3A_32 = arith.constant 0 : i32
      %dma_wait3A_33 = tpu.memref_slice %arg2[%add3A, %dma_wait3A, %dma_wait3A_32] : memref<32x40x128xi32, #tpu.memory_space<hbm>> -> memref<1x40x128xi32, #tpu.memory_space<hbm>>
      %dma_wait3A_34 = tpu.memref_squeeze %dma_wait3A_33 : memref<1x40x128xi32, #tpu.memory_space<hbm>> -> memref<40x128xi32, #tpu.memory_space<hbm>>
      %dma_wait3A_35 = arith.constant 0 : i32
      %dma_wait3A_36 = arith.constant 0 : i32
      %dma_wait3A_37 = tpu.memref_slice %arg2[%add3A, %dma_wait3A_35, %dma_wait3A_36] : memref<32x40x128xi32, #tpu.memory_space<hbm>> -> memref<1x40x128xi32, #tpu.memory_space<hbm>>
      %dma_wait3A_38 = tpu.memref_squeeze %dma_wait3A_37 : memref<1x40x128xi32, #tpu.memory_space<hbm>> -> memref<40x128xi32, #tpu.memory_space<hbm>>
      tpu.wait_dma2 semaphore(%run_scoped3A : memref<!tpu.dma_semaphore, #tpu.memory_space<semaphore_mem>>) src(%dma_wait3A_38 : memref<40x128xi32, #tpu.memory_space<hbm>>) dst(%arg8 : memref<40x128xi32, #tpu.memory_space<vmem>>)
      tpu.yield
    }) : () -> ()
    %barrier3A = arith.constant 0 : index
    tpu.barrier barrier_id(%barrier3A)
    %scan3A = arith.constant 0 : i32
    %scan3A_5 = arith.constant 40 : i32
    %scan3A_6 = arith.addi %scan3A, %scan3A_5 : i32
    %scan3A_7 = arith.constant 1 : i32
    scf.for %scan3A_25 = %scan3A to %scan3A_6 step %scan3A_7  : i32 {
      %mul3A_26 = arith.constant 1 : i32
      %mul3A_27 = arith.muli %scan3A_25, %mul3A_26 : i32
      %add3A_28 = arith.constant 0 : i32
      %add3A_29 = arith.addi %add3A_28, %mul3A_27 : i32
      %dma_start3A = arith.constant 0 : i32
      %dma_start3A_30 = tpu.memref_slice %arg8[%add3A_29, %dma_start3A] : memref<40x128xi32, #tpu.memory_space<vmem>> -> memref<1x128xi32, #tpu.memory_space<vmem>>
      %dma_start3A_31 = tpu.memref_squeeze %dma_start3A_30 : memref<1x128xi32, #tpu.memory_space<vmem>> -> memref<128xi32, #tpu.memory_space<vmem>>
      %dma_start3A_32 = arith.constant 0 : i32
      %dma_start3A_33 = arith.constant 0 : i32
      %dma_start3A_34 = tpu.memref_slice %arg7[%dma_start3A_32, %dma_start3A_33] : memref<10016x128xf32, #tpu.memory_space<vmem_shared>> -> memref<10016x128xf32, #tpu.memory_space<vmem_shared>>
      tpu.enqueue_indirect_dma source(%arg9 : memref<128x128xf32, #tpu.memory_space<vmem>>) target(%dma_start3A_34 : memref<10016x128xf32, #tpu.memory_space<vmem_shared>>) offsets(%dma_start3A_31 : memref<128xi32, #tpu.memory_space<vmem>>) semaphore(%arg10 : memref<!tpu.dma_semaphore, #tpu.memory_space<semaphore_mem>>) {add = true}
    }
    %scan3A_8 = arith.constant 40 : i32
    %scan3A_9 = arith.constant 0 : i32
    %scan3A_10 = arith.constant 40 : i32
    %scan3A_11 = arith.addi %scan3A_9, %scan3A_10 : i32
    %scan3A_12 = arith.constant 1 : i32
    scf.for %scan3A_25 = %scan3A_9 to %scan3A_11 step %scan3A_12  : i32 {
      %mul3A_26 = arith.constant 1 : i32
      %mul3A_27 = arith.muli %scan3A_25, %mul3A_26 : i32
      %add3A_28 = arith.constant 0 : i32
      %add3A_29 = arith.addi %add3A_28, %mul3A_27 : i32
      %dma_wait3A = arith.constant 0 : i32
      %dma_wait3A_30 = arith.constant 0 : i32
      %dma_wait3A_31 = tpu.memref_slice %arg8[%dma_wait3A, %dma_wait3A_30] : memref<40x128xi32, #tpu.memory_space<vmem>> -> memref<1x128xi32, #tpu.memory_space<vmem>>
      %dma_wait3A_32 = tpu.memref_squeeze %dma_wait3A_31 : memref<1x128xi32, #tpu.memory_space<vmem>> -> memref<128xi32, #tpu.memory_space<vmem>>
      %dma_wait3A_33 = arith.constant 0 : i32
      %dma_wait3A_34 = arith.constant 0 : i32
      %dma_wait3A_35 = tpu.memref_slice %arg7[%dma_wait3A_33, %dma_wait3A_34] : memref<10016x128xf32, #tpu.memory_space<vmem_shared>> -> memref<10016x128xf32, #tpu.memory_space<vmem_shared>>
      tpu.wait_indirect_dma semaphore(%arg10 : memref<!tpu.dma_semaphore, #tpu.memory_space<semaphore_mem>>) src(%arg9 : memref<128x128xf32, #tpu.memory_space<vmem>>) dst(%dma_wait3A_35 : memref<10016x128xf32, #tpu.memory_space<vmem_shared>>)
    }
    %scan3A_13 = arith.constant 40 : i32
    %barrier3A_14 = arith.constant 0 : index
    tpu.barrier barrier_id(%barrier3A_14)
    %eq3A_15 = arith.constant 0 : i32
    %eq3A_16 = arith.cmpi eq, %arg0, %eq3A_15 : i32
    %convert_element_type3A_17 = arith.extui %eq3A_16 : i1 to i32
    %cond3A_18 = arith.constant 0 : i32
    %cond3A_19 = arith.cmpi ne, %convert_element_type3A_17, %cond3A_18 : i32
    scf.if %cond3A_19 {
      "tpu.region"() ({
        %run_scoped3A = tpu.sem_alloc : memref<!tpu.dma_semaphore, #tpu.memory_space<semaphore_mem>>
        %dma_start3A = arith.constant 0 : i32
        %dma_start3A_30 = tpu.memref_slice %arg5[%mul3A_0, %dma_start3A] : memref<10000x128xf32, #tpu.memory_space<hbm>> -> memref<624x128xf32, #tpu.memory_space<hbm>>
        %dma_start3A_31 = arith.constant 0 : i32
        %dma_start3A_32 = tpu.memref_slice %arg7[%mul3A_0, %dma_start3A_31] : memref<10016x128xf32, #tpu.memory_space<vmem_shared>> -> memref<624x128xf32, #tpu.memory_space<vmem_shared>>
        tpu.enqueue_dma source(%dma_start3A_32 : memref<624x128xf32, #tpu.memory_space<vmem_shared>>) target(%dma_start3A_30 : memref<624x128xf32, #tpu.memory_space<hbm>>) target_semaphore(%run_scoped3A : memref<!tpu.dma_semaphore, #tpu.memory_space<semaphore_mem>>)
        %dma_wait3A = arith.constant 0 : i32
        %dma_wait3A_33 = tpu.memref_slice %arg5[%mul3A_0, %dma_wait3A] : memref<10000x128xf32, #tpu.memory_space<hbm>> -> memref<624x128xf32, #tpu.memory_space<hbm>>
        %dma_wait3A_34 = arith.constant 0 : i32
        %dma_wait3A_35 = tpu.memref_slice %arg7[%mul3A_0, %dma_wait3A_34] : memref<10016x128xf32, #tpu.memory_space<vmem_shared>> -> memref<624x128xf32, #tpu.memory_space<vmem_shared>>
        tpu.wait_dma2 semaphore(%run_scoped3A : memref<!tpu.dma_semaphore, #tpu.memory_space<semaphore_mem>>) src(%dma_wait3A_35 : memref<624x128xf32, #tpu.memory_space<vmem_shared>>) dst(%dma_wait3A_33 : memref<624x128xf32, #tpu.memory_space<hbm>>)
        tpu.yield
      }) : () -> ()
      %eq3A_25 = arith.constant 15 : i32
      %eq3A_26 = arith.cmpi eq, %arg1, %eq3A_25 : i32
      %convert_element_type3A_27 = arith.extui %eq3A_26 : i1 to i32
      %cond3A_28 = arith.constant 0 : i32
      %cond3A_29 = arith.cmpi ne, %convert_element_type3A_27, %cond3A_28 : i32
      scf.if %cond3A_29 {
        "tpu.region"() ({
          %run_scoped3A = tpu.sem_alloc : memref<!tpu.dma_semaphore, #tpu.memory_space<semaphore_mem>>
          %dma_start3A = arith.constant 9984 : i32
          %dma_start3A_30 = arith.constant 0 : i32
          %dma_start3A_31 = tpu.memref_slice %arg5[%dma_start3A, %dma_start3A_30] : memref<10000x128xf32, #tpu.memory_space<hbm>> -> memref<16x128xf32, #tpu.memory_space<hbm>>
          %dma_start3A_32 = arith.constant 9984 : i32
          %dma_start3A_33 = arith.constant 0 : i32
          %dma_start3A_34 = tpu.memref_slice %arg7[%dma_start3A_32, %dma_start3A_33] : memref<10016x128xf32, #tpu.memory_space<vmem_shared>> -> memref<16x128xf32, #tpu.memory_space<vmem_shared>>
          tpu.enqueue_dma source(%dma_start3A_34 : memref<16x128xf32, #tpu.memory_space<vmem_shared>>) target(%dma_start3A_31 : memref<16x128xf32, #tpu.memory_space<hbm>>) target_semaphore(%run_scoped3A : memref<!tpu.dma_semaphore, #tpu.memory_space<semaphore_mem>>)
          %dma_wait3A = arith.constant 9984 : i32
          %dma_wait3A_35 = arith.constant 0 : i32
          %dma_wait3A_36 = tpu.memref_slice %arg5[%dma_wait3A, %dma_wait3A_35] : memref<10000x128xf32, #tpu.memory_space<hbm>> -> memref<16x128xf32, #tpu.memory_space<hbm>>
          %dma_wait3A_37 = arith.constant 9984 : i32
          %dma_wait3A_38 = arith.constant 0 : i32
          %dma_wait3A_39 = tpu.memref_slice %arg7[%dma_wait3A_37, %dma_wait3A_38] : memref<10016x128xf32, #tpu.memory_space<vmem_shared>> -> memref<16x128xf32, #tpu.memory_space<vmem_shared>>
          tpu.wait_dma2 semaphore(%run_scoped3A : memref<!tpu.dma_semaphore, #tpu.memory_space<semaphore_mem>>) src(%dma_wait3A_39 : memref<16x128xf32, #tpu.memory_space<vmem_shared>>) dst(%dma_wait3A_36 : memref<16x128xf32, #tpu.memory_space<hbm>>)
          tpu.yield
        }) : () -> ()
      } else {
      }
    } else {
    }
    %eq3A_20 = arith.constant 1 : i32
    %eq3A_21 = arith.cmpi eq, %arg0, %eq3A_20 : i32
    %convert_element_type3A_22 = arith.extui %eq3A_21 : i1 to i32
    %cond3A_23 = arith.constant 0 : i32
    %cond3A_24 = arith.cmpi ne, %convert_element_type3A_22, %cond3A_23 : i32
    scf.if %cond3A_24 {
      "tpu.region"() ({
        %run_scoped3A = tpu.sem_alloc : memref<!tpu.dma_semaphore, #tpu.memory_space<semaphore_mem>>
        %dma_start3A = arith.constant 0 : i32
        %dma_start3A_30 = tpu.memref_slice %arg6[%mul3A_0, %dma_start3A] : memref<10000x128xf32, #tpu.memory_space<hbm>> -> memref<624x128xf32, #tpu.memory_space<hbm>>
        %dma_start3A_31 = arith.constant 0 : i32
        %dma_start3A_32 = tpu.memref_slice %arg7[%mul3A_0, %dma_start3A_31] : memref<10016x128xf32, #tpu.memory_space<vmem_shared>> -> memref<624x128xf32, #tpu.memory_space<vmem_shared>>
        tpu.enqueue_dma source(%dma_start3A_32 : memref<624x128xf32, #tpu.memory_space<vmem_shared>>) target(%dma_start3A_30 : memref<624x128xf32, #tpu.memory_space<hbm>>) target_semaphore(%run_scoped3A : memref<!tpu.dma_semaphore, #tpu.memory_space<semaphore_mem>>)
        %dma_wait3A = arith.constant 0 : i32
        %dma_wait3A_33 = tpu.memref_slice %arg6[%mul3A_0, %dma_wait3A] : memref<10000x128xf32, #tpu.memory_space<hbm>> -> memref<624x128xf32, #tpu.memory_space<hbm>>
        %dma_wait3A_34 = arith.constant 0 : i32
        %dma_wait3A_35 = tpu.memref_slice %arg7[%mul3A_0, %dma_wait3A_34] : memref<10016x128xf32, #tpu.memory_space<vmem_shared>> -> memref<624x128xf32, #tpu.memory_space<vmem_shared>>
        tpu.wait_dma2 semaphore(%run_scoped3A : memref<!tpu.dma_semaphore, #tpu.memory_space<semaphore_mem>>) src(%dma_wait3A_35 : memref<624x128xf32, #tpu.memory_space<vmem_shared>>) dst(%dma_wait3A_33 : memref<624x128xf32, #tpu.memory_space<hbm>>)
        tpu.yield
      }) : () -> ()
      %eq3A_25 = arith.constant 15 : i32
      %eq3A_26 = arith.cmpi eq, %arg1, %eq3A_25 : i32
      %convert_element_type3A_27 = arith.extui %eq3A_26 : i1 to i32
      %cond3A_28 = arith.constant 0 : i32
      %cond3A_29 = arith.cmpi ne, %convert_element_type3A_27, %cond3A_28 : i32
      scf.if %cond3A_29 {
        "tpu.region"() ({
          %run_scoped3A = tpu.sem_alloc : memref<!tpu.dma_semaphore, #tpu.memory_space<semaphore_mem>>
          %dma_start3A = arith.constant 9984 : i32
          %dma_start3A_30 = arith.constant 0 : i32
          %dma_start3A_31 = tpu.memref_slice %arg6[%dma_start3A, %dma_start3A_30] : memref<10000x128xf32, #tpu.memory_space<hbm>> -> memref<16x128xf32, #tpu.memory_space<hbm>>
          %dma_start3A_32 = arith.constant 9984 : i32
          %dma_start3A_33 = arith.constant 0 : i32
          %dma_start3A_34 = tpu.memref_slice %arg7[%dma_start3A_32, %dma_start3A_33] : memref<10016x128xf32, #tpu.memory_space<vmem_shared>> -> memref<16x128xf32, #tpu.memory_space<vmem_shared>>
          tpu.enqueue_dma source(%dma_start3A_34 : memref<16x128xf32, #tpu.memory_space<vmem_shared>>) target(%dma_start3A_31 : memref<16x128xf32, #tpu.memory_space<hbm>>) target_semaphore(%run_scoped3A : memref<!tpu.dma_semaphore, #tpu.memory_space<semaphore_mem>>)
          %dma_wait3A = arith.constant 9984 : i32
          %dma_wait3A_35 = arith.constant 0 : i32
          %dma_wait3A_36 = tpu.memref_slice %arg6[%dma_wait3A, %dma_wait3A_35] : memref<10000x128xf32, #tpu.memory_space<hbm>> -> memref<16x128xf32, #tpu.memory_space<hbm>>
          %dma_wait3A_37 = arith.constant 9984 : i32
          %dma_wait3A_38 = arith.constant 0 : i32
          %dma_wait3A_39 = tpu.memref_slice %arg7[%dma_wait3A_37, %dma_wait3A_38] : memref<10016x128xf32, #tpu.memory_space<vmem_shared>> -> memref<16x128xf32, #tpu.memory_space<vmem_shared>>
          tpu.wait_dma2 semaphore(%run_scoped3A : memref<!tpu.dma_semaphore, #tpu.memory_space<semaphore_mem>>) src(%dma_wait3A_39 : memref<16x128xf32, #tpu.memory_space<vmem_shared>>) dst(%dma_wait3A_36 : memref<16x128xf32, #tpu.memory_space<hbm>>)
          tpu.yield
        }) : () -> ()
      } else {
      }
    } else {
    }
    return
  }
}

</mosaic_0001>

<sc_bundles>
// kernel: _deg_sc.3.cloned.1.call-start
scs
__scs_entry_jumppad:
0x0: {  	(pc) =	sbr.rel $0x88, $3  }
0x1: {  	(tag) =	ssettag $0x0;
	lr =	simm.s32 $0x1  }
0x2: {  	[smem:$0x3F9E] =	sst lr;
	_ =	strace $0xD0000000  }
0x3: {  	_ = 	snop  }
0x4: {  	_ = 	snop  }
0x5: {  	_ = 	snop  }
0x6: {  	_ = 	snop  }
0x7: {  	_ = 	snop  }
__scs_overlays_trampoline_lowered:
0x8: {  	[smem:$0x3FAD] =	sst s0  }
0x9: {  	[smem:$0x3FAE] =	sst s1  }
0xa: {  	[smem:$0x3FAF] =	sst s2  }
0xb: {  	[smem:$0x3FB0] =	sst s3  }
0xc: {  	[smem:$0x3FB1] =	sst s4  }
0xd: {  	[smem:$0x3FB2] =	sst s5  }
0xe: {  	[smem:$0x3FB3] =	sst s6  }
0xf: {  	[smem:$0x3FB4] =	sst s7  }
0x10: {  	[smem:$0x3FB5] =	sst s8  }
0x11: {  	[smem:$0x3FB6] =	sst s9;
	s0 =	simm.s32 @!p0 $0x0  }
0x12: {  	s1 =	sld [smem:$0x3F9C];
	s0 =	simm.s32 @p0 $0x1  }
0x13: {  	[smem:$0x3FB7] =	sst s0;
	s0 =	simm.s32 @!p1 $0x0  }
0x14: {  	s2 =	sld [smem:$0x3F9B];
	s0 =	simm.s32 @p1 $0x1  }
0x15: {  	[smem:$0x3FB8] =	sst s0;
	s0 =	simm.s32 @!p2 $0x0  }
0x16: {  	s3 =	sld [smem:$0x3FDB];
	s0 =	simm.s32 @p2 $0x1  }
0x17: {  	s4 =	simm.s32 $0x1BF5;
	[smem:$0x3FBA] =	sst s0  }
0x18: {  	s0 =	sld [smem:$0x3F9D];
	_ =	swait.ge [sflag:s4], $0x0  }
0x19: {  	s7 =	sld [smem:$0x3F9E]  }
0x1a: {  	s8 =	sadd.s32 $0xFFFFE003, lr  }
0x1b: {  	s9 =	sadd.s32 $0xFFFFFEF7, lr;
	s5 =	simm.s32 $0xFFFFFFFF;
	p2 =	slt.u32 s8, $0xFFFFF086  }
0x1c: {  	p1 =	slt.u32 s9, $0xF7A;
	s5 =	simm.s32 @!p2 $0x0  }
0x1d: {  	s5 =	simm.s32 @p1 $0x1;
	p0 =	seq.s32 s7, s2  }
0x1e: {  	s7 =	smul.u32 @!p0 $0xF7A, s2;
	p2 =	seq.s32 @!p0 s5, $0x0  }
0x1f: {  	s9 =	smul.u32 $0xF7A, s1;
	s8 =	simm.s32 @!p0 $0x1BF5;
	p2 =	por !p2, p0  }
0x20: {  	[sflag:s8] =	ssyncset.s32 @!p0 $0xFFFFF086;
	s6 =	sadd.s32 @!p0 s3, s7;
	s7 =	simm.s32 @!p0 $0x108  }
0x21: {  	s3 =	sadd.s32 s3, s9;
	s6 =	sadd.s32 @!p0 $0x88, s6;
	s7 =	simm.s32 @p2 $0x1082  }
0x22: {  	[simem:s7], [sflag:s8] =	dma.local @!p0 [hbm:s6], $0xF7A  }
0x23: {  	s9 =	sor.u32 $0xD0000000, s2;
	s6 =	simm.s32 $0x108;
	_ =	swait.ge @!p0 [sflag:s8], $0x0  }
0x24: {  	s3 =	sadd.s32 $0x88, s3;
	s6 =	simm.s32 @!p1 $0x1082;
	[sflag:s4] =	ssyncset.s32 $0xFFFFF086  }
0x25: {  	[simem:s6], [sflag:s4] =	dma.local [hbm:s3], $0xF7A  }
0x26: {  	[smem:$0x3F9E] =	sst s1;
	(tag) =	ssettag s2;
	_ =	strace s9  }
0x27: {  	s1 =	sld [smem:$0x3FAE]  }
0x28: {  	s2 =	sld [smem:$0x3FAF]  }
0x29: {  	s4 =	sld [smem:$0x3FB1]  }
0x2a: {  	p0 =	seq.s32 s5, $0x0;
	s5 =	sld [smem:$0x3FB2]  }
0x2b: {  	s6 =	sld [smem:$0x3FB3]  }
0x2c: {  	s7 =	sld [smem:$0x3FB4]  }
0x2d: {  	s3 =	simm.s32 $0x108;
	s8 =	sld [smem:$0x3FB5]  }
0x2e: {  	s3 =	simm.s32 @!p0 $0x1082;
	s9 =	sld [smem:$0x3FB6]  }
0x2f: {  	lr =	sadd.s32 s0, s3;
	s0 =	sld [smem:$0x3FAD]  }
0x30: {  	s3 =	sld [smem:$0x3FB0]  }
0x31: {  	[smem:$0x3FB9] =	sst s10  }
0x32: {  	s10 =	sld [smem:$0x3FB7];
	_ =	sdelay $0x3  }
0x33: {  	p0 =	seq.s32 s10, $0x1;
	s10 =	sld [smem:$0x3FB9];
	_ =	sdelay $0x3  }
0x34: {  	[smem:$0x3FB9] =	sst s10  }
0x35: {  	s10 =	sld [smem:$0x3FB8];
	_ =	sdelay $0x3  }
0x36: {  	p1 =	seq.s32 s10, $0x1;
	s10 =	sld [smem:$0x3FB9];
	_ =	sdelay $0x3  }
0x37: {  	[smem:$0x3FB9] =	sst s10  }
0x38: {  	s10 =	sld [smem:$0x3FBA]  }
0x39: {  	_ = 	snop;
	(pc) =	sbr.ind lr, $3  }
0x3a: {  	_ = 	snop  }
0x3b: {  	_ = 	snop  }
0x3c: {  	p2 =	seq.s32 s10, $0x1;
	s10 =	sld [smem:$0x3FB9]  }
0x3d: {  	_ =	shalt  }
0x3e: {  	_ =	shalt  }
0x3f: {  	_ =	shalt  }
0x40: {  	_ =	shalt  }
0x41: {  	_ =	shalt  }
0x42: {  	_ =	shalt  }
0x43: {  	_ =	shalt  }
0x44: {  	_ =	shalt  }
0x45: {  	_ =	shalt  }
0x46: {  	_ =	shalt  }
0x47: {  	_ =	shalt  }
0x48: {  	_ =	shalt  }
0x49: {  	_ =	shalt  }
0x4a: {  	_ =	shalt  }
0x4b: {  	_ =	shalt  }
0x4c: {  	_ =	shalt  }
0x4d: {  	_ =	shalt  }
0x4e: {  	_ =	shalt  }
0x4f: {  	_ =	shalt  }
0x50: {  	_ =	shalt  }
0x51: {  	_ =	shalt  }
0x52: {  	_ =	shalt  }
0x53: {  	_ =	shalt  }
0x54: {  	_ =	shalt  }
0x55: {  	_ =	shalt  }
0x56: {  	_ =	shalt  }
0x57: {  	_ =	shalt  }
0x58: {  	_ =	shalt  }
0x59: {  	_ =	shalt  }
0x5a: {  	_ =	shalt  }
0x5b: {  	_ =	shalt  }
0x5c: {  	_ =	shalt  }
0x5d: {  	_ =	shalt  }
0x5e: {  	_ =	shalt  }
0x5f: {  	_ =	shalt  }
0x60: {  	_ =	shalt  }
0x61: {  	_ =	shalt  }
0x62: {  	_ =	shalt  }
0x63: {  	_ =	shalt  }
0x64: {  	_ =	shalt  }
0x65: {  	_ =	shalt  }
0x66: {  	_ =	shalt  }
0x67: {  	_ =	shalt  }
0x68: {  	_ =	shalt  }
0x69: {  	_ =	shalt  }
0x6a: {  	_ =	shalt  }
0x6b: {  	_ =	shalt  }
0x6c: {  	_ =	shalt  }
0x6d: {  	_ =	shalt  }
0x6e: {  	_ =	shalt  }
0x6f: {  	_ =	shalt  }
0x70: {  	_ =	shalt  }
0x71: {  	_ =	shalt  }
0x72: {  	_ =	shalt  }
0x73: {  	_ =	shalt  }
0x74: {  	_ =	shalt  }
0x75: {  	_ =	shalt  }
0x76: {  	_ =	shalt  }
0x77: {  	_ =	shalt  }
0x78: {  	_ =	shalt  }
0x79: {  	_ =	shalt  }
0x7a: {  	_ =	shalt  }
0x7b: {  	_ =	shalt  }
0x7c: {  	_ =	shalt  }
0x7d: {  	_ =	shalt  }
0x7e: {  	_ =	shalt  }
0x7f: {  	_ =	shalt  }
0x80: {  	_ =	shalt  }
0x81: {  	_ =	shalt  }
0x82: {  	_ =	shalt  }
0x83: {  	_ =	shalt  }
0x84: {  	_ =	shalt  }
0x85: {  	_ =	shalt  }
0x86: {  	_ =	shalt  }
0x87: {  	_ =	shalt  }
.Lfunc_end0:
.L_simem_size_0:
called_computation_lowered:
.L_overlay_start_0:
0x88: {  	s2 =	sld [smem:$0x3FD9]  }
0x89: {  	s3 =	sld [smem:$0x3FFE];
	_ =	sdelay $0x1  }
0x8a: {  	s1 =	srdreg.scid  }
0x8b: {  	s0 =	sand.u32 $0x1, s1  }
0x8c: {  	s15 =	sshll.u32 s0, $0xA;
	s2 =	sadd.s32 s3, s2  }
0x8d: {  	s2 =	sadd.s32 s2, s15  }
0x8e: {  	[smem:$0x3FC5] =	sst s2  }
0x8f: {  	_ = 	snop  }
0x90: {  	s2 =	sld [smem:$0x3FD0]  }
0x91: {  	s16 =	sld [smem:$0x3FC9]  }
0x92: {  	s4 =	sld [smem:$0x3FC8]  }
0x93: {  	s6 =	simm.s32 $0xA;
	s7 =	simm.s32 $0x10;
	s5 =	sld [smem:$0x3FC7]  }
0x94: {  	[smem:s7], [sflag:s6] =	dma.local [hbm:s2], $0x1  }
0x95: {  	_ =	swait.eq [sflag:s6], $0x1  }
0x96: {  	[sflag:s6] =	ssyncset.done $0x0  }
0x97: {  	s17 =	sld [smem:$0x10];
	[sflag:s6] =	ssyncadd.s32 $0xFFFFFFFF  }
0x98: {  	s18 =	sld [smem:$0x11];
	(tm) =	ssettm $0x1  }
0x99: {  	s19 =	sld [smem:$0x3FFB];
	_ =	sdelay $0x3  }
0x9a: {  	_ =	strace s19  }
0x9b: {  	s7 =	sld [smem:$0x3FFC];
	_ =	sdelay $0x3  }
0x9c: {  	_ =	strace s7  }
0x9d: {  	s7 =	sld [smem:$0x3FFD];
	_ =	sdelay $0x3  }
0x9e: {  	_ =	strace s7  }
0x9f: {  	_ =	strace $0x8FFFFFFF  }
0xa0: {  	s20 =	sld [smem:$0x3FDB];
	_ =	sdelay $0x1  }
0xa1: {  	s8 =	simm.s32 $_scs_section_size  }
0xa2: {  	s9 =	simm.s32 $_size__tile_overlayer_lowered;
	s10 =	simm.s32 $_tile_overlayer_lowered  }
0xa3: {  	s23 =	simm.s32 $0x1BFF;
	s22 =	sshll.u32 s10, $0x1;
	s7 =	sadd.s32 s8, s20  }
0xa4: {  	s11 =	simm.s32 $0x0;
	s21 =	sshll.u32 s9, $0x1;
	s9 =	sadd.s32 s22, s7  }
0xa5: {  	[timem:s11], [sflag:s23] =	dma.local [hbm:s9], s21  }
0xa6: {  	_ =	swait.ge [sflag:s23], s21  }
0xa7: {  	s8 =	ssub.s32 $0x0, s21;
	[sflag:s23] =	ssyncset.done $0x0  }
0xa8: {  	[sflag:s23] =	ssyncadd.s32 s8;
	_ =	sdelay $0x1  }
0xa9: {  	s24 =	simm.s32 $0x1B8B  }
0xaa: {  	_ =	swait.ge [sflag:s24], $0x1  }
0xab: {  	[sflag:s24] =	ssyncset.done $0x0  }
0xac: {  	s25 =	simm.s32 $0x1B8E;
	[sflag:s24] =	ssyncadd.s32 $0xFFFFFFFF  }
0xad: {  	s26 =	simm.s32 $execute0_lowered;
	[smem:$0x3FD2] =	sst s25  }
0xae: {  	s8 =	sshll.u32 s26, $0x1;
	_ =	strace $0x80000046;
	[dreg:$0x1] =	wrdreg $0xFFFFFFFF  }
0xaf: {  	s28 =	simm.s32 $_size_execute0_lowered;
	s7 =	sadd.s32 s7, s8;
	[dreg:$0x0] =	wrdreg $0x0  }
0xb0: {  	s8 =	sshll.u32 s28, $0x1;
	[dreg:$0x2] =	wrdreg s7  }
0xb1: {  	[dreg:$0x3] =	wrdreg s8  }
0xb2: {  	[dreg:$0x4] =	wrdreg $0xC0  }
0xb3: {  	_ =	task [dreg:s11], $0x5FFFF  }
0xb4: {  	[dreg:$0x1] =	wrdreg $0xFFFFFFFF  }
0xb5: {  	[dreg:$0x0] =	wrdreg $0x60  }
0xb6: {  	[dreg:$0x2] =	wrdreg s16  }
0xb7: {  	[dreg:$0x3] =	wrdreg s4  }
0xb8: {  	[dreg:$0x4] =	wrdreg s5  }
0xb9: {  	[dreg:$0x5] =	wrdreg s17  }
0xba: {  	[dreg:$0x6] =	wrdreg s18  }
0xbb: {  	[dreg:$0x7] =	wrdreg $0x0  }
0xbc: {  	[dreg:$0x8] =	wrdreg $0x9  }
0xbd: {  	_ =	task.clear_ibuf [dreg:s11], $0x9FFFF;
	_ =	strace $0x90000046  }
0xbe: {  	s29 =	simm.s32 $0x9;
	_ =	strace $0x80000048  }
0xbf: {  	_ =	swait.ge [sflag:s29], $0x1  }
0xc0: {  	[sflag:s29] =	ssyncadd.s32 $0xFFFFFFFF  }
0xc1: {  	_ =	strace $0x90000048  }
0xc2: {  	_ =	sfence  }
0xc3: {  	s30 =	sld [smem:$0x0];
	_ =	sdelay $0x2  }
0xc4: {  	s31 =	sshll.u32 s1, $0xD;
	s1 =	sshrl.u32 s1, $0x2  }
0xc5: {  	s3 =	sand.u32 $0x4000, s31;
	s1 =	sadd.s32 s1, s30  }
0xc6: {  	s0 =	sor.u32 s3, s0;
	s1 =	sshll.u32 s1, $0x11  }
0xc7: {  	s0 =	sor.u32 s1, s0  }
0xc8: {  	s0 =	sadd.s32 $0x8F2B, s0  }
0xc9: {  	[sflag:s0] =	ssyncadd.remote.s32 $0x1  }
0xca: {  	_ =	sfence.sel $0xFFFF  }
0xcb: {  	[dreg:$0x0] =	wrdreg $0xFFFFFFFF;
	(pc) =	sbr.abs _section_cstart, $3  }
0xcc: {  	[dreg:$0x1] =	wrdreg $0xFFFFFFFF  }
0xcd: {  	_ =	task.clear_ibuf [dreg:s11], $0x2FFFF;
	_ =	strace $0x9FFFFFFF  }
0xce: {  	(tm) =	ssettm $0x7FFFFFFF  }
0xcf: {  	_ =	shalt  }
tec
execute0_lowered:
.L_overlay_start_1:
0x0: {  	(tag) =	ssettag $0x1  }
0x1: {  	s0 =	rddreg [dreg:$0x0]  }
0x2: {  	s28 =	rddreg [dreg:$0x1]  }
0x3: {  	s1 =	rddreg [dreg:$0x2]  }
0x4: {  	s12 =	rddreg [dreg:$0x3]  }
0x5: {  	s13 =	rddreg [dreg:$0x4]  }
0x6: {  	s4 =	rddreg [dreg:$0x5]  }
0x7: {  	s6 =	simm.s32 $0x0;
	s2 =	srdreg.scid;
	s21 =	stileid.u32  }
0x8: {  	s14 =	simm.s32 $0x14D00;
	s15 =	simm.s32 $0x2;
	s19 =	simm.s32 $0x13900  }
0x9: {  	s20 =	simm.s32 $0x80;
	s29 =	simm.s32 $0x13980;
	s30 =	simm.s32 $0x14680  }
0xa: {  	s31 =	simm.s32 $0x14700;
	s22 =	simm.s32 $0x14C00;
	[smem:$0x7FF] =	sst s6  }
0xb: {  	s2 =	sand.u32 $0x1, s2;
	s5 =	smul.u32 $0x4E000, s21;
	s7 =	sshll.u32 s21, $0x1  }
0xc: {  	s11 =	smul.u32 $0x2700, s21;
	s18 =	sadd.s32 $0x138000, s4;
	s9 =	sadd.s32 $0x27000, s1  }
0xd: {  	p1 =	sne.s32 s21, $0xF;
	s26 =	sshll.u32 s21, $0x6;
	p2 =	seq.s32 s21, $0xF  }
0xe: {  	s21 =	simm.s32 $0x14B80;
	_ =	strace $0x80000047;
	s3 =	ssub.s32 $0x2, s2  }
0xf: {  	s7 =	sor.u32 s2, s7;
	p0 =	seq.s32 s2, $0x1;
	s16 =	sor.u32 $0x1C02, s26  }
0x10: {  	[dreg:$0x7] =	wrdreg s18;
	s18 =	sshrl.u32 @!p1 s18, $0x3;
	s2 =	simm.s32 $0x14880  }
0x11: {  	s8 =	sshrl.u32 s3, $0x1;
	s5 =	sshrl.u32 s5, $0x2;
	s23 =	smul.u32 $0x280, s7  }
0x12: {  	s7 =	sadd.s32 s1, s11;
	s24 =	sadd.s32 s12, s11;
	s25 =	sadd.s32 s13, s11  }
0x13: {  	s1 =	simm.s32 $0x14980;
	s11 =	simm.s32 $0x14A00;
	s12 =	simm.s32 $0x14A80  }
.Ltmp0:
0x14: {  	s3 =	ssub.s32 s3, s8;
	[dreg:$0x8] =	wrdreg s24;
	(pc) =	sbr.rel .LBB2_1-.Ltmp0, $4  }
0x15: {  	s5 =	sadd.s32 s5, s4;
	[dreg:$0x9] =	wrdreg s25;
	s8 =	simm.s32 $0x14B00  }
0x16: {  	s24 =	simm.s32 $0x1;
	s25 =	simm.s32 $0x0;
	s10 =	sadd.s32 s0, s23  }
0x17: {  	s13 =	smax.u32 s3, $0x1;
	s17 =	sshrl.u32 s5, $0x3;
	s0 =	simm.s32 $0x14780  }
0x18: {  	s5 =	simm.s32 $0x14800;
	s3 =	simm.s32 $0x14900;
	s23 =	simm.s32 $0x14C80  }
.LBB2_6:
0x19: {  	s29 =	smov.u32 s28;
	s28 =	rddreg [dreg:$0x7]  }
0x1a: {  	s26 =	sadd.s32 $0x27000, s26;
	s28 =	sshrl.u32 s28, $0x3  }
0x1b: {  	[hbm:s26], [sflag:s16] =	dma.local [spmem:s28], $0x100  }
0x1c: {  	_ =	swait.ge [sflag:s15], $0x100  }
0x1d: {  	[sflag:s15] =	ssyncset.done $0x0  }
0x1e: {  	s28 =	smov.u32 s29;
	s29 =	simm.s32 $0x13980;
	[sflag:s15] =	ssyncadd.s32 $0xFFFFFF00  }
.LBB2_7:
0x1f: {  	s25 =	sadd.s32 $0x1, s25  }
0x20: {  	p3 =	sne.s32 s25, s13  }
.Ltmp1:
0x21: {  	_ = 	snop;
	(pc) =	sbr.rel @!p3 .LBB2_8-.Ltmp1, $1  }
0x22: {  	_ =	sdelay $0x3  }
.LBB2_1:
0x23: {  	[tilespmem:s14], [sflag:$0x2] =	stream.linear.gather [hbm4b:s28+s6], $0x4000, $0x38;
	[tilespmem:$0x18D00] =	vst v63  }
0x24: {  	_ =	swait.ge [sflag:s15], $0x4000  }
0x25: {  	[sflag:s15] =	ssyncset.done $0x0  }
0x26: {  	[sflag:s15] =	ssyncadd.s32 $0xFFFFC000  }
0x27: {  	[spmem:s17], [sflag:s16] =	dma.local [hbm:s7], $0x2700  }
0x28: {  	_ =	swait.ge [sflag:s15], $0x2700  }
0x29: {  	[sflag:s15] =	ssyncset.done $0x0  }
0x2a: {  	s26 =	simm.s32 @!p1 $0x2;
	[sflag:s15] =	ssyncadd.s32 $0xFFFFD900  }
0x2b: {  	[spmem:s18], [sflag:s16] =	dma.local @!p1 [hbm:s9], $0x200  }
0x2c: {  	_ =	swait.ge @!p1 [sflag:s26], $0x200  }
0x2d: {  	[sflag:s26] =	ssyncset.done @!p1 $0x0  }
0x2e: {  	[sflag:s26] =	ssyncadd.s32 @!p1 $0xFFFFFE00  }
0x2f: {  	[tilespmem:s19], [sflag:$0x2] =	stream.linear.gather [hbm4b:s10+s6], $0x1400, $0x38;
	[tilespmem:$0x18D00] =	vst v63  }
0x30: {  	_ =	swait.ge [sflag:s15], $0x1400  }
0x31: {  	[sflag:s15] =	ssyncset.done $0x0  }
0x32: {  	[sflag:s15] =	ssyncadd.s32 $0xFFFFEC00  }
0x33: {  	[bflag:$0x0] =	sbarrier.arrive $0xFFFF  }
0x34: {  	[spmem:s4] =	stream.indirect.scatter.add.f32 [tilespmem:s14], [sflag:$0x1], $0x80, s19, s20, $0xb8;
	[tilespmem:$0x18D00] =	vst v63  }
0x35: {  	_ = 	snop  }
0x36: {  	[spmem:s4] =	stream.indirect.scatter.add.f32 [tilespmem:s14], [sflag:$0x1], $0x80, s29, s20, $0xb8;
	[tilespmem:$0x18D00] =	vst v63  }
0x37: {  	s26 =	simm.s32 $0x13A00  }
0x38: {  	[spmem:s4] =	stream.indirect.scatter.add.f32 [tilespmem:s14], [sflag:$0x1], $0x80, s26, s20, $0xb8;
	[tilespmem:$0x18D00] =	vst v63  }
0x39: {  	s26 =	simm.s32 $0x13A80  }
0x3a: {  	[spmem:s4] =	stream.indirect.scatter.add.f32 [tilespmem:s14], [sflag:$0x1], $0x80, s26, s20, $0xb8;
	[tilespmem:$0x18D00] =	vst v63  }
0x3b: {  	s26 =	simm.s32 $0x13B00  }
0x3c: {  	[spmem:s4] =	stream.indirect.scatter.add.f32 [tilespmem:s14], [sflag:$0x1], $0x80, s26, s20, $0xb8;
	[tilespmem:$0x18D00] =	vst v63  }
0x3d: {  	s26 =	simm.s32 $0x13B80  }
0x3e: {  	[spmem:s4] =	stream.indirect.scatter.add.f32 [tilespmem:s14], [sflag:$0x1], $0x80, s26, s20, $0xb8;
	[tilespmem:$0x18D00] =	vst v63  }
0x3f: {  	s26 =	simm.s32 $0x13C00  }
0x40: {  	[spmem:s4] =	stream.indirect.scatter.add.f32 [tilespmem:s14], [sflag:$0x1], $0x80, s26, s20, $0xb8;
	[tilespmem:$0x18D00] =	vst v63  }
0x41: {  	s26 =	simm.s32 $0x13C80  }
0x42: {  	[spmem:s4] =	stream.indirect.scatter.add.f32 [tilespmem:s14], [sflag:$0x1], $0x80, s26, s20, $0xb8;
	[tilespmem:$0x18D00] =	vst v63  }
0x43: {  	s26 =	simm.s32 $0x13D00  }
0x44: {  	[spmem:s4] =	stream.indirect.scatter.add.f32 [tilespmem:s14], [sflag:$0x1], $0x80, s26, s20, $0xb8;
	[tilespmem:$0x18D00] =	vst v63  }
0x45: {  	s26 =	simm.s32 $0x13D80  }
0x46: {  	[spmem:s4] =	stream.indirect.scatter.add.f32 [tilespmem:s14], [sflag:$0x1], $0x80, s26, s20, $0xb8;
	[tilespmem:$0x18D00] =	vst v63  }
0x47: {  	s26 =	simm.s32 $0x13E00  }
0x48: {  	[spmem:s4] =	stream.indirect.scatter.add.f32 [tilespmem:s14], [sflag:$0x1], $0x80, s26, s20, $0xb8;
	[tilespmem:$0x18D00] =	vst v63  }
0x49: {  	s26 =	simm.s32 $0x13E80  }
0x4a: {  	[spmem:s4] =	stream.indirect.scatter.add.f32 [tilespmem:s14], [sflag:$0x1], $0x80, s26, s20, $0xb8;
	[tilespmem:$0x18D00] =	vst v63  }
0x4b: {  	s26 =	simm.s32 $0x13F00  }
0x4c: {  	[spmem:s4] =	stream.indirect.scatter.add.f32 [tilespmem:s14], [sflag:$0x1], $0x80, s26, s20, $0xb8;
	[tilespmem:$0x18D00] =	vst v63  }
0x4d: {  	s26 =	simm.s32 $0x13F80  }
0x4e: {  	[spmem:s4] =	stream.indirect.scatter.add.f32 [tilespmem:s14], [sflag:$0x1], $0x80, s26, s20, $0xb8;
	[tilespmem:$0x18D00] =	vst v63  }
0x4f: {  	s26 =	simm.s32 $0x14000  }
0x50: {  	[spmem:s4] =	stream.indirect.scatter.add.f32 [tilespmem:s14], [sflag:$0x1], $0x80, s26, s20, $0xb8;
	[tilespmem:$0x18D00] =	vst v63  }
0x51: {  	s26 =	simm.s32 $0x14080  }
0x52: {  	[spmem:s4] =	stream.indirect.scatter.add.f32 [tilespmem:s14], [sflag:$0x1], $0x80, s26, s20, $0xb8;
	[tilespmem:$0x18D00] =	vst v63  }
0x53: {  	s26 =	simm.s32 $0x14100  }
0x54: {  	[spmem:s4] =	stream.indirect.scatter.add.f32 [tilespmem:s14], [sflag:$0x1], $0x80, s26, s20, $0xb8;
	[tilespmem:$0x18D00] =	vst v63  }
0x55: {  	s26 =	simm.s32 $0x14180  }
0x56: {  	[spmem:s4] =	stream.indirect.scatter.add.f32 [tilespmem:s14], [sflag:$0x1], $0x80, s26, s20, $0xb8;
	[tilespmem:$0x18D00] =	vst v63  }
0x57: {  	s26 =	simm.s32 $0x14200  }
0x58: {  	[spmem:s4] =	stream.indirect.scatter.add.f32 [tilespmem:s14], [sflag:$0x1], $0x80, s26, s20, $0xb8;
	[tilespmem:$0x18D00] =	vst v63  }
0x59: {  	s26 =	simm.s32 $0x14280  }
0x5a: {  	[spmem:s4] =	stream.indirect.scatter.add.f32 [tilespmem:s14], [sflag:$0x1], $0x80, s26, s20, $0xb8;
	[tilespmem:$0x18D00] =	vst v63  }
0x5b: {  	s26 =	simm.s32 $0x14300  }
0x5c: {  	[spmem:s4] =	stream.indirect.scatter.add.f32 [tilespmem:s14], [sflag:$0x1], $0x80, s26, s20, $0xb8;
	[tilespmem:$0x18D00] =	vst v63  }
0x5d: {  	s26 =	simm.s32 $0x14380  }
0x5e: {  	[spmem:s4] =	stream.indirect.scatter.add.f32 [tilespmem:s14], [sflag:$0x1], $0x80, s26, s20, $0xb8;
	[tilespmem:$0x18D00] =	vst v63  }
0x5f: {  	s26 =	simm.s32 $0x14400  }
0x60: {  	[spmem:s4] =	stream.indirect.scatter.add.f32 [tilespmem:s14], [sflag:$0x1], $0x80, s26, s20, $0xb8;
	[tilespmem:$0x18D00] =	vst v63  }
0x61: {  	s26 =	simm.s32 $0x14480  }
0x62: {  	[spmem:s4] =	stream.indirect.scatter.add.f32 [tilespmem:s14], [sflag:$0x1], $0x80, s26, s20, $0xb8;
	[tilespmem:$0x18D00] =	vst v63  }
0x63: {  	s26 =	simm.s32 $0x14500  }
0x64: {  	[spmem:s4] =	stream.indirect.scatter.add.f32 [tilespmem:s14], [sflag:$0x1], $0x80, s26, s20, $0xb8;
	[tilespmem:$0x18D00] =	vst v63  }
0x65: {  	s26 =	simm.s32 $0x14580  }
0x66: {  	[spmem:s4] =	stream.indirect.scatter.add.f32 [tilespmem:s14], [sflag:$0x1], $0x80, s26, s20, $0xb8;
	[tilespmem:$0x18D00] =	vst v63  }
0x67: {  	s26 =	simm.s32 $0x14600  }
0x68: {  	[spmem:s4] =	stream.indirect.scatter.add.f32 [tilespmem:s14], [sflag:$0x1], $0x80, s26, s20, $0xb8;
	[tilespmem:$0x18D00] =	vst v63  }
0x69: {  	_ = 	snop  }
0x6a: {  	[spmem:s4] =	stream.indirect.scatter.add.f32 [tilespmem:s14], [sflag:$0x1], $0x80, s30, s20, $0xb8;
	[tilespmem:$0x18D00] =	vst v63  }
0x6b: {  	_ = 	snop  }
0x6c: {  	[spmem:s4] =	stream.indirect.scatter.add.f32 [tilespmem:s14], [sflag:$0x1], $0x80, s31, s20, $0xb8;
	[tilespmem:$0x18D00] =	vst v63  }
0x6d: {  	_ = 	snop  }
0x6e: {  	[spmem:s4] =	stream.indirect.scatter.add.f32 [tilespmem:s14], [sflag:$0x1], $0x80, s0, s20, $0xb8;
	[tilespmem:$0x18D00] =	vst v63  }
0x6f: {  	_ = 	snop  }
0x70: {  	[spmem:s4] =	stream.indirect.scatter.add.f32 [tilespmem:s14], [sflag:$0x1], $0x80, s5, s20, $0xb8;
	[tilespmem:$0x18D00] =	vst v63  }
0x71: {  	_ = 	snop  }
0x72: {  	[spmem:s4] =	stream.indirect.scatter.add.f32 [tilespmem:s14], [sflag:$0x1], $0x80, s2, s20, $0xb8;
	[tilespmem:$0x18D00] =	vst v63  }
0x73: {  	_ = 	snop  }
0x74: {  	[spmem:s4] =	stream.indirect.scatter.add.f32 [tilespmem:s14], [sflag:$0x1], $0x80, s3, s20, $0xb8;
	[tilespmem:$0x18D00] =	vst v63  }
0x75: {  	_ = 	snop  }
0x76: {  	[spmem:s4] =	stream.indirect.scatter.add.f32 [tilespmem:s14], [sflag:$0x1], $0x80, s1, s20, $0xb8;
	[tilespmem:$0x18D00] =	vst v63  }
0x77: {  	_ = 	snop  }
0x78: {  	[spmem:s4] =	stream.indirect.scatter.add.f32 [tilespmem:s14], [sflag:$0x1], $0x80, s11, s20, $0xb8;
	[tilespmem:$0x18D00] =	vst v63  }
0x79: {  	_ = 	snop  }
0x7a: {  	[spmem:s4] =	stream.indirect.scatter.add.f32 [tilespmem:s14], [sflag:$0x1], $0x80, s12, s20, $0xb8;
	[tilespmem:$0x18D00] =	vst v63  }
0x7b: {  	_ = 	snop  }
0x7c: {  	[spmem:s4] =	stream.indirect.scatter.add.f32 [tilespmem:s14], [sflag:$0x1], $0x80, s8, s20, $0xb8;
	[tilespmem:$0x18D00] =	vst v63  }
0x7d: {  	_ = 	snop  }
0x7e: {  	[spmem:s4] =	stream.indirect.scatter.add.f32 [tilespmem:s14], [sflag:$0x1], $0x80, s21, s20, $0xb8;
	[tilespmem:$0x18D00] =	vst v63  }
0x7f: {  	_ = 	snop  }
0x80: {  	[spmem:s4] =	stream.indirect.scatter.add.f32 [tilespmem:s14], [sflag:$0x1], $0x80, s22, s20, $0xb8;
	[tilespmem:$0x18D00] =	vst v63  }
0x81: {  	_ = 	snop  }
0x82: {  	[spmem:s4] =	stream.indirect.scatter.add.f32 [tilespmem:s14], [sflag:$0x1], $0x80, s23, s20, $0xb8;
	[tilespmem:$0x18D00] =	vst v63  }
0x83: {  	_ =	swait.ge [sflag:s24], $0x4000  }
0x84: {  	s26 =	simm.s32 $0x27;
	[sflag:s24] =	ssyncset.done $0x0  }
.LBB2_2:
0x85: {  	p3 =	sne.s32 s26, $0x1;
	s26 =	sadd.s32 $0xFFFFFFFF, s26;
	[sflag:s24] =	ssyncadd.s32 $0xFFFFC000  }
.Ltmp2:
0x86: {  	(pc) =	sbr.rel @p3 .LBB2_2-.Ltmp2, $3  }
0x87: {  	_ =	sdelay $0x1  }
0x88: {  	_ =	swait.ge [sflag:s24], $0x4000  }
0x89: {  	[sflag:s24] =	ssyncset.done $0x0  }
.Ltmp3:
0x8a: {  	(pc) =	sbr.rel @!p0 .LBB2_4-.Ltmp3, $3  }
0x8b: {  	_ = 	snop  }
0x8c: {  	[sflag:s24] =	ssyncadd.s32 $0xFFFFC000  }
0x8d: {  	[bflag:$0x0] =	sbarrier.arrive $0xFFFF;
	_ =	sdelay $0x1  }
0x8e: {  	s26 =	rddreg [dreg:$0x9]  }
0x8f: {  	[hbm:s26], [sflag:s16] =	dma.local [spmem:s17], $0x2700  }
.Ltmp4:
0x90: {  	_ = 	snop;
	(pc) =	sbr.rel @p1 .LBB2_7-.Ltmp4, $4  }
.Ltmp5:
0x91: {  	_ =	swait.ge [sflag:s15], $0x2700;
	(pc) =	sbr.rel @!p1 .LBB2_6-.Ltmp5, $4  }
0x92: {  	[sflag:s15] =	ssyncset.done $0x0  }
0x93: {  	[sflag:s15] =	ssyncadd.s32 $0xFFFFD900  }
0x94: {  	s26 =	rddreg [dreg:$0x4]  }
0x95: {  	_ = 	snop  }
.LBB2_4:
0x96: {  	s26 =	rddreg [dreg:$0x8]  }
0x97: {  	[hbm:s26], [sflag:s16] =	dma.local [spmem:s17], $0x2700  }
.Ltmp6:
0x98: {  	_ = 	snop;
	(pc) =	sbr.rel @p2 .LBB2_6-.Ltmp6, $4  }
.Ltmp7:
0x99: {  	_ =	swait.ge [sflag:s15], $0x2700;
	(pc) =	sbr.rel @!p2 .LBB2_7-.Ltmp7, $4  }
0x9a: {  	[sflag:s15] =	ssyncset.done $0x0  }
0x9b: {  	[sflag:s15] =	ssyncadd.s32 $0xFFFFD900  }
0x9c: {  	s26 =	rddreg [dreg:$0x3]  }
0x9d: {  	_ = 	snop  }
.LBB2_8:
0x9e: {  	_ =	sfence.sel $0x180000  }
0x9f: {  	[bflag:$0x0] =	sbarrier.arrive $0xFFFF  }
0xa0: {  	_ =	strace $0x90000047  }
0xa1: {  	s0 =	stileid.u32;
	[bflag:$0x2] =	sbarrier.arrive $0xFFFF  }
0xa2: {  	p0 =	sne.s32 s0, $0x0;
	s0 =	rddreg [dreg:$0x6]  }
0xa3: {  	s0 =	sadd.s32 @!p0 $0x100000, s0  }
0xa4: {  	[sflag:s0] =	ssyncadd.tile.s32 @!p0 $0x1;
	_ =	shalt  }
.Lfunc_end2:
_tile_overlayer_lowered:
.L_overlay_start_2:
0xa5: {  	(tag) =	ssettag $0x2  }
0xa6: {  	s0 =	rddreg [dreg:$0x0];
	s2 =	stileid.u32  }
0xa7: {  	s1 =	rddreg [dreg:$0x1];
	p0 =	sne.s32 s2, $0x0  }
0xa8: {  	s3 =	rddreg [dreg:$0x2];
	[bflag:$0x3] =	sbarrier.arrive $0xFFFF;
	s2 =	simm.s32 @!p0 $0x1C02  }
0xa9: {  	[timem:s3], [sflag:s2] =	dma.local @!p0 [hbm:s0], s1  }
0xaa: {  	s0 =	simm.s32 @!p0 $0x2  }
0xab: {  	_ =	swait.ge @!p0 [sflag:s0], s1  }
0xac: {  	s1 =	ssub.s32 @!p0 $0x0, s1;
	[sflag:s0] =	ssyncset.done @!p0 $0x0  }
0xad: {  	[sflag:s0] =	ssyncadd.s32 @!p0 s1  }
0xae: {  	[bflag:$0x3] =	sbarrier.arrive $0xFFFF  }
0xaf: {  	_ =	shalt  }

</sc_bundles>
